<compile_context>
chip_gen: v7x
topology: tpu7x:2x2x1
jax: 0.10.2.dev20260603
libtpu: 0.0.44.dev20260713+nightly
codegen_flags: <defaults>
</compile_context>

<pallas_src>
import functools
import math

import jax
import jax.numpy as jnp
from jax import lax
from jax.experimental import pallas as pl
from jax.experimental.pallas import tpu as pltpu
from jax.experimental.pallas import tpu_sc as plsc

_PATCH = 16
_MASK_PROB = 0.15
_REPLACE_PROB = 0.5

_B = 64
_SEQ = 1024
_KTOP = math.ceil(_MASK_PROB * _SEQ)

_NC = 2
_NS = 16
_NW = _NC * _NS
_L = 16
_ROWS_PER_W = _B // _NW
_VECS = _SEQ // _L
_BISECT_ITERS = 40


def _patches_body(x_ref, o_ref):
    x = x_ref[0]
    a = x.reshape(3, 4, _PATCH, 512)
    a = jnp.transpose(a, (1, 0, 2, 3)).reshape(4, 48, 512)
    t1 = jnp.swapaxes(a, 1, 2)
    u = t1.reshape(4, 32, _PATCH, 48)
    u = jnp.transpose(u, (2, 0, 1, 3)).reshape(_PATCH, 128, 48)
    t2 = jnp.swapaxes(u, 1, 2)
    v = t2.reshape(_PATCH, 3, _PATCH, 128)
    v = jnp.transpose(v, (2, 0, 1, 3))
    o_ref[0] = v.reshape(_PATCH * _PATCH * 3, 128).T


def _patches(x):
    return pl.pallas_call(
        _patches_body,
        grid=(_B, 8),
        in_specs=[pl.BlockSpec((1, 3, 64, 512), lambda b, g: (b, 0, g, 0))],
        out_specs=pl.BlockSpec((1, 128, 768), lambda b, g: (b, g, 0)),
        out_shape=jax.ShapeDtypeStruct((_B, _SEQ, 768), jnp.float32),
        compiler_params=pltpu.CompilerParams(
            dimension_semantics=("parallel", "arbitrary"),
        ),
    )(x)


def _mask_sc_body(rand_hbm, rrand_hbm, mask_hbm, repl_hbm, row_v, out_v):
    wid = lax.axis_index("s") * _NC + lax.axis_index("c")

    def count_ge(t):
        def body(i, acc):
            v = row_v[pl.ds(i * _L, _L)]
            return acc + jnp.where(v >= t, 1.0, 0.0)

        acc = lax.fori_loop(0, _VECS, body, jnp.zeros((_L,), jnp.float32))
        idx = lax.iota(jnp.int32, _L)
        for s in (8, 4, 2, 1):
            acc = acc + jnp.take(acc, jnp.bitwise_xor(idx, s))
        return acc

    for j in range(_ROWS_PER_W):
        r = wid * _ROWS_PER_W + j
        pltpu.sync_copy(rand_hbm.at[r], row_v)

        def bis(_, carry):
            lo, hi = carry
            mid = 0.5 * (lo + hi)
            pred = count_ge(mid) >= float(_KTOP)
            return (jnp.where(pred, mid, lo), jnp.where(pred, hi, mid))

        lo, _hi = lax.fori_loop(
            0, _BISECT_ITERS, bis,
            (jnp.zeros((_L,), jnp.float32), jnp.ones((_L,), jnp.float32)),
        )

        def write_mask(i, carry):
            v = row_v[pl.ds(i * _L, _L)]
            out_v[pl.ds(i * _L, _L)] = jnp.where(v >= lo, 1.0, 0.0)
            return carry

        lax.fori_loop(0, _VECS, write_mask, 0)
        pltpu.sync_copy(out_v, mask_hbm.at[r])

        pltpu.sync_copy(rrand_hbm.at[r], row_v)

        def write_repl(i, carry):
            v = row_v[pl.ds(i * _L, _L)]
            out_v[pl.ds(i * _L, _L)] = jnp.where(v < _REPLACE_PROB, 1.0, 0.0)
            return carry

        lax.fori_loop(0, _VECS, write_repl, 0)
        pltpu.sync_copy(out_v, repl_hbm.at[r])


def _mask_replace(rand, rrand):
    mesh = plsc.VectorSubcoreMesh(core_axis_name="c", subcore_axis_name="s")
    f = functools.partial(
        pl.kernel,
        mesh=mesh,
        out_type=[
            jax.ShapeDtypeStruct((_B, _SEQ), jnp.float32),
            jax.ShapeDtypeStruct((_B, _SEQ), jnp.float32),
        ],
        scratch_types=[
            pltpu.VMEM((_SEQ,), jnp.float32),
            pltpu.VMEM((_SEQ,), jnp.float32),
        ],
    )(_mask_sc_body)
    return f(rand, rrand)


def kernel(input):
    patches = _patches(input)
    k1 = jax.random.fold_in(jax.random.key(0), 1)
    rand = jax.random.uniform(k1, (_B, _SEQ), dtype=jnp.float32)
    k2 = jax.random.fold_in(jax.random.key(0), 2)
    rrand = jax.random.uniform(k2, (_B, _SEQ), dtype=jnp.float32)
    mask_f, repl_f = _mask_replace(rand, rrand)
    return patches, mask_f.astype(bool), repl_f.astype(bool)

# --- scband reference (transcript-rebuilt; emitter-appended) ---
"""Pipeline reference for scband-patch-prediction-network-87548613361739 (READ-ONLY COPY).

The authoritative reference and input builder live on the scoring server;
editing this copy changes nothing except your own understanding.
"""

import math
import jax, jax.numpy as jnp
import numpy as np

PATCH = 16
MASK_PROB = 0.15
REPLACE_PROB = 0.5

def setup_inputs(seed: int = 0) -> dict:
    key = jax.random.key(seed)
    x = jax.random.normal(key, (64, 3, 512, 512), dtype=jnp.float32)
    return {"input": x}

def reference(input):
    # rearrange 'b c (h p1) (w p2) -> b (h w) (p1 p2 c)'
    p = PATCH
    b, c, H, W = input.shape
    h, w = H // p, W // p
    patches = input.reshape(b, c, h, p, w, p)
    patches = patches.transpose(0, 2, 4, 3, 5, 1)  # b h w p1 p2 c
    patches = patches.reshape(b, h * w, p * p * c)
    seq_len = h * w
    # get_mask_token_prob: topk over uniform noise, scatter True at sampled indices
    n_max_masked = math.ceil(MASK_PROB * seq_len)
    k1 = jax.random.fold_in(jax.random.key(0), 1)
    rand = jax.random.uniform(k1, (b, seq_len), dtype=jnp.float32)
    _, sampled_indices = jax.lax.top_k(rand, n_max_masked)
    rows = jnp.arange(b)[:, None]
    mask_indices = jnp.zeros((b, seq_len), dtype=jnp.float32).at[rows, sampled_indices].set(1.0)
    mask = mask_indices.astype(bool)
    # prob_mask_like
    k2 = jax.random.fold_in(jax.random.key(0), 2)
    replace = jax.random.uniform(k2, (b, seq_len), dtype=jnp.float32) < REPLACE_PROB
    return patches, mask, replace

if __name__ == "__main__":
    import jax
    _d = setup_inputs()
    print(jax.jit(kernel)(*tuple(_d.values())))

</pallas_src>

<mosaic_0001>
#map = affine_map<(d0, d1) -> (0, 0)>
module attributes {stable_mosaic.version = 14 : i64} {
  func.func @_mask_sc_body(%arg0: i32, %arg1: i32, %arg2: memref<64x1024xf32, #tpu.memory_space<hbm>>, %arg3: memref<64x1024xf32, #tpu.memory_space<hbm>>, %arg4: memref<64x1024xf32, #tpu.memory_space<hbm>>, %arg5: memref<64x1024xf32, #tpu.memory_space<hbm>>, %arg6: memref<1024xf32, #tpu.memory_space<vmem>>, %arg7: memref<1024xf32, #tpu.memory_space<vmem>>) attributes {dimension_semantics = [#tpu.dimension_semantics<core_parallel>, #tpu.dimension_semantics<subcore_parallel>], iteration_bounds = array<i64: 2, 16>, scalar_prefetch = 0 : i64, scratch_operands = 2 : i64, tpu.core_type = #tpu.core_type<sc_vector_subcore>, window_params = [{transform_indices = #map}, {transform_indices = #map}, {transform_indices = #map}, {transform_indices = #map}]} {
    %mul3A = arith.constant 2 : i32
    %mul3A_0 = arith.muli %arg1, %mul3A : i32
    %add3A = arith.addi %mul3A_0, %arg0 : i32
    %mul3A_1 = arith.constant 2 : i32
    %mul3A_2 = arith.muli %add3A, %mul3A_1 : i32
    %add3A_3 = arith.constant 0 : i32
    %add3A_4 = arith.addi %mul3A_2, %add3A_3 : i32
    "tpu.region"() ({
      %run_scoped3A = tpu.sem_alloc : memref<!tpu.dma_semaphore, #tpu.memory_space<semaphore_mem>>
      %dma_start3A = arith.constant 0 : i32
      %dma_start3A_51 = tpu.memref_slice %arg2[%add3A_4, %dma_start3A] : memref<64x1024xf32, #tpu.memory_space<hbm>> -> memref<1x1024xf32, #tpu.memory_space<hbm>>
      %dma_start3A_52 = tpu.memref_squeeze %dma_start3A_51 : memref<1x1024xf32, #tpu.memory_space<hbm>> -> memref<1024xf32, #tpu.memory_space<hbm>>
      %dma_start3A_53 = arith.constant 0 : i32
      %dma_start3A_54 = tpu.memref_slice %arg2[%add3A_4, %dma_start3A_53] : memref<64x1024xf32, #tpu.memory_space<hbm>> -> memref<1x1024xf32, #tpu.memory_space<hbm>>
      %dma_start3A_55 = tpu.memref_squeeze %dma_start3A_54 : memref<1x1024xf32, #tpu.memory_space<hbm>> -> memref<1024xf32, #tpu.memory_space<hbm>>
      tpu.enqueue_dma source(%dma_start3A_55 : memref<1024xf32, #tpu.memory_space<hbm>>) target(%arg6 : memref<1024xf32, #tpu.memory_space<vmem>>) target_semaphore(%run_scoped3A : memref<!tpu.dma_semaphore, #tpu.memory_space<semaphore_mem>>)
      %dma_wait3A = arith.constant 0 : i32
      %dma_wait3A_56 = tpu.memref_slice %arg2[%add3A_4, %dma_wait3A] : memref<64x1024xf32, #tpu.memory_space<hbm>> -> memref<1x1024xf32, #tpu.memory_space<hbm>>
      %dma_wait3A_57 = tpu.memref_squeeze %dma_wait3A_56 : memref<1x1024xf32, #tpu.memory_space<hbm>> -> memref<1024xf32, #tpu.memory_space<hbm>>
      %dma_wait3A_58 = arith.constant 0 : i32
      %dma_wait3A_59 = tpu.memref_slice %arg2[%add3A_4, %dma_wait3A_58] : memref<64x1024xf32, #tpu.memory_space<hbm>> -> memref<1x1024xf32, #tpu.memory_space<hbm>>
      %dma_wait3A_60 = tpu.memref_squeeze %dma_wait3A_59 : memref<1x1024xf32, #tpu.memory_space<hbm>> -> memref<1024xf32, #tpu.memory_space<hbm>>
      tpu.wait_dma2 semaphore(%run_scoped3A : memref<!tpu.dma_semaphore, #tpu.memory_space<semaphore_mem>>) src(%dma_wait3A_60 : memref<1024xf32, #tpu.memory_space<hbm>>) dst(%arg6 : memref<1024xf32, #tpu.memory_space<vmem>>)
      tpu.yield
    }) : () -> ()
    %broadcast_in_dim3A = arith.constant 0.000000e+00 : f32
    %broadcast_in_dim3A_5 = vector.broadcast %broadcast_in_dim3A : f32 to vector<16xf32>
    %broadcast_in_dim3A_6 = arith.constant 1.000000e+00 : f32
    %broadcast_in_dim3A_7 = vector.broadcast %broadcast_in_dim3A_6 : f32 to vector<16xf32>
    %scan3A = arith.constant 0 : i32
    %scan3A_8 = arith.constant 40 : i32
    %scan3A_9 = arith.addi %scan3A, %scan3A_8 : i32
    %scan3A_10 = arith.constant 1 : i32
    %scan3A_11:2 = scf.for %scan3A_51 = %scan3A to %scan3A_9 step %scan3A_10 iter_args(%scan3A_52 = %broadcast_in_dim3A_5, %scan3A_53 = %broadcast_in_dim3A_7) -> (vector<16xf32>, vector<16xf32>)  : i32 {
      %add3A_54 = arith.addf %scan3A_52, %scan3A_53 : vector<16xf32>
      %mul3A_55 = arith.constant 5.000000e-01 : f32
      %mul3A_56 = vector.broadcast %mul3A_55 : f32 to vector<16xf32>
      %mul3A_57 = arith.mulf %mul3A_56, %add3A_54 : vector<16xf32>
      %broadcast_in_dim3A_58 = arith.constant 0.000000e+00 : f32
      %broadcast_in_dim3A_59 = vector.broadcast %broadcast_in_dim3A_58 : f32 to vector<16xf32>
      %scan3A_60 = arith.constant 0 : i32
      %scan3A_61 = arith.constant 64 : i32
      %scan3A_62 = arith.addi %scan3A_60, %scan3A_61 : i32
      %scan3A_63 = arith.constant 1 : i32
      %scan3A_64 = scf.for %scan3A_122 = %scan3A_60 to %scan3A_62 step %scan3A_63 iter_args(%scan3A_123 = %broadcast_in_dim3A_59) -> (vector<16xf32>)  : i32 {
        %mul3A_124 = arith.constant 16 : i32
        %mul3A_125 = arith.muli %scan3A_122, %mul3A_124 : i32
        %get3A = arith.index_cast %mul3A_125 : i32 to index
        %get3A_126 = tpu.vector_load %arg6[%get3A] {strides = array<i32>} : memref<1024xf32, #tpu.memory_space<vmem>>, vector<16xf32>,
        %get3A_127 = vector.shape_cast %get3A_126 : vector<16xf32> to vector<16xf32>
        %ge3A_128 = arith.cmpf oge, %get3A_127, %mul3A_57 : vector<16xf32>
        %jit3A = arith.constant 1.000000e+00 : f32
        %jit3A_129 = arith.constant 0.000000e+00 : f32
        %broadcast_in_dim3A_130 = vector.broadcast %jit3A : f32 to vector<16xf32>
        %broadcast_in_dim3A_131 = vector.broadcast %jit3A_129 : f32 to vector<16xf32>
        %select_n3A_132 = arith.select %ge3A_128, %broadcast_in_dim3A_130, %broadcast_in_dim3A_131 : vector<16xi1>, vector<16xf32>
        %add3A_133 = arith.addf %scan3A_123, %select_n3A_132 : vector<16xf32>
        scf.yield %add3A_133 : vector<16xf32>
      }
      %scan3A_65 = arith.constant 64 : i32
      %iota3A = tpu.iota {dimensions = array<i32: 0>} : vector<16xi32>
      %xor3A = arith.constant 8 : i32
      %xor3A_66 = vector.broadcast %xor3A : i32 to vector<16xi32>
      %xor3A_67 = arith.xori %iota3A, %xor3A_66 : vector<16xi32>
      %lt3A = arith.constant 0 : i32
      %lt3A_68 = vector.broadcast %lt3A : i32 to vector<16xi32>
      %lt3A_69 = arith.cmpi slt, %xor3A_67, %lt3A_68 : vector<16xi32>
      %add3A_70 = arith.constant 16 : i32
      %add3A_71 = vector.broadcast %add3A_70 : i32 to vector<16xi32>
      %add3A_72 = arith.addi %xor3A_67, %add3A_71 : vector<16xi32>
      %select_n3A = arith.select %lt3A_69, %add3A_72, %xor3A_67 : vector<16xi1>, vector<16xi32>
      %broadcast_in_dim3A_73 = vector.shape_cast %select_n3A : vector<16xi32> to vector<16x1xi32>
      %gather3A = vector.shape_cast %broadcast_in_dim3A_73 : vector<16x1xi32> to vector<16xi32>
      %gather3A_74 = tpu.dynamic_gather %scan3A_64[%gather3A] in [0] : vector<16xf32>, vector<16xi32> -> vector<16xf32>
      %add3A_75 = arith.addf %scan3A_64, %gather3A_74 : vector<16xf32>
      %xor3A_76 = arith.constant 4 : i32
      %xor3A_77 = vector.broadcast %xor3A_76 : i32 to vector<16xi32>
      %xor3A_78 = arith.xori %iota3A, %xor3A_77 : vector<16xi32>
      %lt3A_79 = arith.constant 0 : i32
      %lt3A_80 = vector.broadcast %lt3A_79 : i32 to vector<16xi32>
      %lt3A_81 = arith.cmpi slt, %xor3A_78, %lt3A_80 : vector<16xi32>
      %add3A_82 = arith.constant 16 : i32
      %add3A_83 = vector.broadcast %add3A_82 : i32 to vector<16xi32>
      %add3A_84 = arith.addi %xor3A_78, %add3A_83 : vector<16xi32>
      %select_n3A_85 = arith.select %lt3A_81, %add3A_84, %xor3A_78 : vector<16xi1>, vector<16xi32>
      %broadcast_in_dim3A_86 = vector.shape_cast %select_n3A_85 : vector<16xi32> to vector<16x1xi32>
      %gather3A_87 = vector.shape_cast %broadcast_in_dim3A_86 : vector<16x1xi32> to vector<16xi32>
      %gather3A_88 = tpu.dynamic_gather %add3A_75[%gather3A_87] in [0] : vector<16xf32>, vector<16xi32> -> vector<16xf32>
      %add3A_89 = arith.addf %add3A_75, %gather3A_88 : vector<16xf32>
      %xor3A_90 = arith.constant 2 : i32
      %xor3A_91 = vector.broadcast %xor3A_90 : i32 to vector<16xi32>
      %xor3A_92 = arith.xori %iota3A, %xor3A_91 : vector<16xi32>
      %lt3A_93 = arith.constant 0 : i32
      %lt3A_94 = vector.broadcast %lt3A_93 : i32 to vector<16xi32>
      %lt3A_95 = arith.cmpi slt, %xor3A_92, %lt3A_94 : vector<16xi32>
      %add3A_96 = arith.constant 16 : i32
      %add3A_97 = vector.broadcast %add3A_96 : i32 to vector<16xi32>
      %add3A_98 = arith.addi %xor3A_92, %add3A_97 : vector<16xi32>
      %select_n3A_99 = arith.select %lt3A_95, %add3A_98, %xor3A_92 : vector<16xi1>, vector<16xi32>
      %broadcast_in_dim3A_100 = vector.shape_cast %select_n3A_99 : vector<16xi32> to vector<16x1xi32>
      %gather3A_101 = vector.shape_cast %broadcast_in_dim3A_100 : vector<16x1xi32> to vector<16xi32>
      %gather3A_102 = tpu.dynamic_gather %add3A_89[%gather3A_101] in [0] : vector<16xf32>, vector<16xi32> -> vector<16xf32>
      %add3A_103 = arith.addf %add3A_89, %gather3A_102 : vector<16xf32>
      %xor3A_104 = arith.constant 1 : i32
      %xor3A_105 = vector.broadcast %xor3A_104 : i32 to vector<16xi32>
      %xor3A_106 = arith.xori %iota3A, %xor3A_105 : vector<16xi32>
      %lt3A_107 = arith.constant 0 : i32
      %lt3A_108 = vector.broadcast %lt3A_107 : i32 to vector<16xi32>
      %lt3A_109 = arith.cmpi slt, %xor3A_106, %lt3A_108 : vector<16xi32>
      %add3A_110 = arith.constant 16 : i32
      %add3A_111 = vector.broadcast %add3A_110 : i32 to vector<16xi32>
      %add3A_112 = arith.addi %xor3A_106, %add3A_111 : vector<16xi32>
      %select_n3A_113 = arith.select %lt3A_109, %add3A_112, %xor3A_106 : vector<16xi1>, vector<16xi32>
      %broadcast_in_dim3A_114 = vector.shape_cast %select_n3A_113 : vector<16xi32> to vector<16x1xi32>
      %gather3A_115 = vector.shape_cast %broadcast_in_dim3A_114 : vector<16x1xi32> to vector<16xi32>
      %gather3A_116 = tpu.dynamic_gather %add3A_103[%gather3A_115] in [0] : vector<16xf32>, vector<16xi32> -> vector<16xf32>
      %add3A_117 = arith.addf %add3A_103, %gather3A_116 : vector<16xf32>
      %ge3A = arith.constant 1.540000e+02 : f32
      %ge3A_118 = vector.broadcast %ge3A : f32 to vector<16xf32>
      %ge3A_119 = arith.cmpf oge, %add3A_117, %ge3A_118 : vector<16xf32>
      %select_n3A_120 = arith.select %ge3A_119, %mul3A_57, %scan3A_52 : vector<16xi1>, vector<16xf32>
      %select_n3A_121 = arith.select %ge3A_119, %scan3A_53, %mul3A_57 : vector<16xi1>, vector<16xf32>
      scf.yield %select_n3A_120, %select_n3A_121 : vector<16xf32>, vector<16xf32>
    }
    %scan3A_12 = arith.constant 40 : i32
    %scan3A_13 = arith.constant 0 : i32
    %scan3A_14 = arith.constant 0 : i32
    %scan3A_15 = arith.constant 64 : i32
    %scan3A_16 = arith.addi %scan3A_14, %scan3A_15 : i32
    %scan3A_17 = arith.constant 1 : i32
    scf.for %scan3A_51 = %scan3A_14 to %scan3A_16 step %scan3A_17  : i32 {
      %mul3A_52 = arith.constant 16 : i32
      %mul3A_53 = arith.muli %scan3A_51, %mul3A_52 : i32
      %get3A = arith.index_cast %mul3A_53 : i32 to index
      %get3A_54 = tpu.vector_load %arg6[%get3A] {strides = array<i32>} : memref<1024xf32, #tpu.memory_space<vmem>>, vector<16xf32>,
      %get3A_55 = vector.shape_cast %get3A_54 : vector<16xf32> to vector<16xf32>
      %ge3A = arith.cmpf oge, %get3A_55, %scan3A_11#0 : vector<16xf32>
      %jit3A = arith.constant 1.000000e+00 : f32
      %jit3A_56 = arith.constant 0.000000e+00 : f32
      %broadcast_in_dim3A_57 = vector.broadcast %jit3A : f32 to vector<16xf32>
      %broadcast_in_dim3A_58 = vector.broadcast %jit3A_56 : f32 to vector<16xf32>
      %select_n3A = arith.select %ge3A, %broadcast_in_dim3A_57, %broadcast_in_dim3A_58 : vector<16xi1>, vector<16xf32>
      %mul3A_59 = arith.constant 16 : i32
      %mul3A_60 = arith.muli %scan3A_51, %mul3A_59 : i32
      %swap3A = arith.index_cast %mul3A_60 : i32 to index
      %swap3A_61 = tpu.vector_load %arg7[%swap3A] {strides = array<i32>} : memref<1024xf32, #tpu.memory_space<vmem>>, vector<16xf32>,
      %swap3A_62 = vector.shape_cast %swap3A_61 : vector<16xf32> to vector<16xf32>
      %swap3A_63 = vector.shape_cast %select_n3A : vector<16xf32> to vector<16xf32>
      tpu.vector_store %arg7[%swap3A], %swap3A_63 {strides = array<i32>} : memref<1024xf32, #tpu.memory_space<vmem>>, vector<16xf32>,
    }
    %scan3A_18 = arith.constant 64 : i32
    "tpu.region"() ({
      %run_scoped3A = tpu.sem_alloc : memref<!tpu.dma_semaphore, #tpu.memory_space<semaphore_mem>>
      %dma_start3A = arith.constant 0 : i32
      %dma_start3A_51 = tpu.memref_slice %arg4[%add3A_4, %dma_start3A] : memref<64x1024xf32, #tpu.memory_space<hbm>> -> memref<1x1024xf32, #tpu.memory_space<hbm>>
      %dma_start3A_52 = tpu.memref_squeeze %dma_start3A_51 : memref<1x1024xf32, #tpu.memory_space<hbm>> -> memref<1024xf32, #tpu.memory_space<hbm>>
      %dma_start3A_53 = arith.constant 0 : i32
      %dma_start3A_54 = tpu.memref_slice %arg4[%add3A_4, %dma_start3A_53] : memref<64x1024xf32, #tpu.memory_space<hbm>> -> memref<1x1024xf32, #tpu.memory_space<hbm>>
      %dma_start3A_55 = tpu.memref_squeeze %dma_start3A_54 : memref<1x1024xf32, #tpu.memory_space<hbm>> -> memref<1024xf32, #tpu.memory_space<hbm>>
      tpu.enqueue_dma source(%arg7 : memref<1024xf32, #tpu.memory_space<vmem>>) target(%dma_start3A_55 : memref<1024xf32, #tpu.memory_space<hbm>>) target_semaphore(%run_scoped3A : memref<!tpu.dma_semaphore, #tpu.memory_space<semaphore_mem>>)
      %dma_wait3A = arith.constant 0 : i32
      %dma_wait3A_56 = tpu.memref_slice %arg4[%add3A_4, %dma_wait3A] : memref<64x1024xf32, #tpu.memory_space<hbm>> -> memref<1x1024xf32, #tpu.memory_space<hbm>>
      %dma_wait3A_57 = tpu.memref_squeeze %dma_wait3A_56 : memref<1x1024xf32, #tpu.memory_space<hbm>> -> memref<1024xf32, #tpu.memory_space<hbm>>
      %dma_wait3A_58 = arith.constant 0 : i32
      %dma_wait3A_59 = tpu.memref_slice %arg4[%add3A_4, %dma_wait3A_58] : memref<64x1024xf32, #tpu.memory_space<hbm>> -> memref<1x1024xf32, #tpu.memory_space<hbm>>
      %dma_wait3A_60 = tpu.memref_squeeze %dma_wait3A_59 : memref<1x1024xf32, #tpu.memory_space<hbm>> -> memref<1024xf32, #tpu.memory_space<hbm>>
      tpu.wait_dma2 semaphore(%run_scoped3A : memref<!tpu.dma_semaphore, #tpu.memory_space<semaphore_mem>>) src(%arg7 : memref<1024xf32, #tpu.memory_space<vmem>>) dst(%dma_wait3A_60 : memref<1024xf32, #tpu.memory_space<hbm>>)
      tpu.yield
    }) : () -> ()
    "tpu.region"() ({
      %run_scoped3A = tpu.sem_alloc : memref<!tpu.dma_semaphore, #tpu.memory_space<semaphore_mem>>
      %dma_start3A = arith.constant 0 : i32
      %dma_start3A_51 = tpu.memref_slice %arg3[%add3A_4, %dma_start3A] : memref<64x1024xf32, #tpu.memory_space<hbm>> -> memref<1x1024xf32, #tpu.memory_space<hbm>>
      %dma_start3A_52 = tpu.memref_squeeze %dma_start3A_51 : memref<1x1024xf32, #tpu.memory_space<hbm>> -> memref<1024xf32, #tpu.memory_space<hbm>>
      %dma_start3A_53 = arith.constant 0 : i32
      %dma_start3A_54 = tpu.memref_slice %arg3[%add3A_4, %dma_start3A_53] : memref<64x1024xf32, #tpu.memory_space<hbm>> -> memref<1x1024xf32, #tpu.memory_space<hbm>>
      %dma_start3A_55 = tpu.memref_squeeze %dma_start3A_54 : memref<1x1024xf32, #tpu.memory_space<hbm>> -> memref<1024xf32, #tpu.memory_space<hbm>>
      tpu.enqueue_dma source(%dma_start3A_55 : memref<1024xf32, #tpu.memory_space<hbm>>) target(%arg6 : memref<1024xf32, #tpu.memory_space<vmem>>) target_semaphore(%run_scoped3A : memref<!tpu.dma_semaphore, #tpu.memory_space<semaphore_mem>>)
      %dma_wait3A = arith.constant 0 : i32
      %dma_wait3A_56 = tpu.memref_slice %arg3[%add3A_4, %dma_wait3A] : memref<64x1024xf32, #tpu.memory_space<hbm>> -> memref<1x1024xf32, #tpu.memory_space<hbm>>
      %dma_wait3A_57 = tpu.memref_squeeze %dma_wait3A_56 : memref<1x1024xf32, #tpu.memory_space<hbm>> -> memref<1024xf32, #tpu.memory_space<hbm>>
      %dma_wait3A_58 = arith.constant 0 : i32
      %dma_wait3A_59 = tpu.memref_slice %arg3[%add3A_4, %dma_wait3A_58] : memref<64x1024xf32, #tpu.memory_space<hbm>> -> memref<1x1024xf32, #tpu.memory_space<hbm>>
      %dma_wait3A_60 = tpu.memref_squeeze %dma_wait3A_59 : memref<1x1024xf32, #tpu.memory_space<hbm>> -> memref<1024xf32, #tpu.memory_space<hbm>>
      tpu.wait_dma2 semaphore(%run_scoped3A : memref<!tpu.dma_semaphore, #tpu.memory_space<semaphore_mem>>) src(%dma_wait3A_60 : memref<1024xf32, #tpu.memory_space<hbm>>) dst(%arg6 : memref<1024xf32, #tpu.memory_space<vmem>>)
      tpu.yield
    }) : () -> ()
    %scan3A_19 = arith.constant 0 : i32
    %scan3A_20 = arith.constant 0 : i32
    %scan3A_21 = arith.constant 64 : i32
    %scan3A_22 = arith.addi %scan3A_20, %scan3A_21 : i32
    %scan3A_23 = arith.constant 1 : i32
    scf.for %scan3A_51 = %scan3A_20 to %scan3A_22 step %scan3A_23  : i32 {
      %mul3A_52 = arith.constant 16 : i32
      %mul3A_53 = arith.muli %scan3A_51, %mul3A_52 : i32
      %get3A = arith.index_cast %mul3A_53 : i32 to index
      %get3A_54 = tpu.vector_load %arg6[%get3A] {strides = array<i32>} : memref<1024xf32, #tpu.memory_space<vmem>>, vector<16xf32>,
      %get3A_55 = vector.shape_cast %get3A_54 : vector<16xf32> to vector<16xf32>
      %lt3A = arith.constant 5.000000e-01 : f32
      %lt3A_56 = vector.broadcast %lt3A : f32 to vector<16xf32>
      %lt3A_57 = arith.cmpf olt, %get3A_55, %lt3A_56 : vector<16xf32>
      %jit3A = arith.constant 1.000000e+00 : f32
      %jit3A_58 = arith.constant 0.000000e+00 : f32
      %broadcast_in_dim3A_59 = vector.broadcast %jit3A : f32 to vector<16xf32>
      %broadcast_in_dim3A_60 = vector.broadcast %jit3A_58 : f32 to vector<16xf32>
      %select_n3A = arith.select %lt3A_57, %broadcast_in_dim3A_59, %broadcast_in_dim3A_60 : vector<16xi1>, vector<16xf32>
      %mul3A_61 = arith.constant 16 : i32
      %mul3A_62 = arith.muli %scan3A_51, %mul3A_61 : i32
      %swap3A = arith.index_cast %mul3A_62 : i32 to index
      %swap3A_63 = tpu.vector_load %arg7[%swap3A] {strides = array<i32>} : memref<1024xf32, #tpu.memory_space<vmem>>, vector<16xf32>,
      %swap3A_64 = vector.shape_cast %swap3A_63 : vector<16xf32> to vector<16xf32>
      %swap3A_65 = vector.shape_cast %select_n3A : vector<16xf32> to vector<16xf32>
      tpu.vector_store %arg7[%swap3A], %swap3A_65 {strides = array<i32>} : memref<1024xf32, #tpu.memory_space<vmem>>, vector<16xf32>,
    }
    %scan3A_24 = arith.constant 64 : i32
    "tpu.region"() ({
      %run_scoped3A = tpu.sem_alloc : memref<!tpu.dma_semaphore, #tpu.memory_space<semaphore_mem>>
      %dma_start3A = arith.constant 0 : i32
      %dma_start3A_51 = tpu.memref_slice %arg5[%add3A_4, %dma_start3A] : memref<64x1024xf32, #tpu.memory_space<hbm>> -> memref<1x1024xf32, #tpu.memory_space<hbm>>
      %dma_start3A_52 = tpu.memref_squeeze %dma_start3A_51 : memref<1x1024xf32, #tpu.memory_space<hbm>> -> memref<1024xf32, #tpu.memory_space<hbm>>
      %dma_start3A_53 = arith.constant 0 : i32
      %dma_start3A_54 = tpu.memref_slice %arg5[%add3A_4, %dma_start3A_53] : memref<64x1024xf32, #tpu.memory_space<hbm>> -> memref<1x1024xf32, #tpu.memory_space<hbm>>
      %dma_start3A_55 = tpu.memref_squeeze %dma_start3A_54 : memref<1x1024xf32, #tpu.memory_space<hbm>> -> memref<1024xf32, #tpu.memory_space<hbm>>
      tpu.enqueue_dma source(%arg7 : memref<1024xf32, #tpu.memory_space<vmem>>) target(%dma_start3A_55 : memref<1024xf32, #tpu.memory_space<hbm>>) target_semaphore(%run_scoped3A : memref<!tpu.dma_semaphore, #tpu.memory_space<semaphore_mem>>)
      %dma_wait3A = arith.constant 0 : i32
      %dma_wait3A_56 = tpu.memref_slice %arg5[%add3A_4, %dma_wait3A] : memref<64x1024xf32, #tpu.memory_space<hbm>> -> memref<1x1024xf32, #tpu.memory_space<hbm>>
      %dma_wait3A_57 = tpu.memref_squeeze %dma_wait3A_56 : memref<1x1024xf32, #tpu.memory_space<hbm>> -> memref<1024xf32, #tpu.memory_space<hbm>>
      %dma_wait3A_58 = arith.constant 0 : i32
      %dma_wait3A_59 = tpu.memref_slice %arg5[%add3A_4, %dma_wait3A_58] : memref<64x1024xf32, #tpu.memory_space<hbm>> -> memref<1x1024xf32, #tpu.memory_space<hbm>>
      %dma_wait3A_60 = tpu.memref_squeeze %dma_wait3A_59 : memref<1x1024xf32, #tpu.memory_space<hbm>> -> memref<1024xf32, #tpu.memory_space<hbm>>
      tpu.wait_dma2 semaphore(%run_scoped3A : memref<!tpu.dma_semaphore, #tpu.memory_space<semaphore_mem>>) src(%arg7 : memref<1024xf32, #tpu.memory_space<vmem>>) dst(%dma_wait3A_60 : memref<1024xf32, #tpu.memory_space<hbm>>)
      tpu.yield
    }) : () -> ()
    %mul3A_25 = arith.constant 2 : i32
    %mul3A_26 = arith.muli %add3A, %mul3A_25 : i32
    %add3A_27 = arith.constant 1 : i32
    %add3A_28 = arith.addi %mul3A_26, %add3A_27 : i32
    "tpu.region"() ({
      %run_scoped3A = tpu.sem_alloc : memref<!tpu.dma_semaphore, #tpu.memory_space<semaphore_mem>>
      %dma_start3A = arith.constant 0 : i32
      %dma_start3A_51 = tpu.memref_slice %arg2[%add3A_28, %dma_start3A] : memref<64x1024xf32, #tpu.memory_space<hbm>> -> memref<1x1024xf32, #tpu.memory_space<hbm>>
      %dma_start3A_52 = tpu.memref_squeeze %dma_start3A_51 : memref<1x1024xf32, #tpu.memory_space<hbm>> -> memref<1024xf32, #tpu.memory_space<hbm>>
      %dma_start3A_53 = arith.constant 0 : i32
      %dma_start3A_54 = tpu.memref_slice %arg2[%add3A_28, %dma_start3A_53] : memref<64x1024xf32, #tpu.memory_space<hbm>> -> memref<1x1024xf32, #tpu.memory_space<hbm>>
      %dma_start3A_55 = tpu.memref_squeeze %dma_start3A_54 : memref<1x1024xf32, #tpu.memory_space<hbm>> -> memref<1024xf32, #tpu.memory_space<hbm>>
      tpu.enqueue_dma source(%dma_start3A_55 : memref<1024xf32, #tpu.memory_space<hbm>>) target(%arg6 : memref<1024xf32, #tpu.memory_space<vmem>>) target_semaphore(%run_scoped3A : memref<!tpu.dma_semaphore, #tpu.memory_space<semaphore_mem>>)
      %dma_wait3A = arith.constant 0 : i32
      %dma_wait3A_56 = tpu.memref_slice %arg2[%add3A_28, %dma_wait3A] : memref<64x1024xf32, #tpu.memory_space<hbm>> -> memref<1x1024xf32, #tpu.memory_space<hbm>>
      %dma_wait3A_57 = tpu.memref_squeeze %dma_wait3A_56 : memref<1x1024xf32, #tpu.memory_space<hbm>> -> memref<1024xf32, #tpu.memory_space<hbm>>
      %dma_wait3A_58 = arith.constant 0 : i32
      %dma_wait3A_59 = tpu.memref_slice %arg2[%add3A_28, %dma_wait3A_58] : memref<64x1024xf32, #tpu.memory_space<hbm>> -> memref<1x1024xf32, #tpu.memory_space<hbm>>
      %dma_wait3A_60 = tpu.memref_squeeze %dma_wait3A_59 : memref<1x1024xf32, #tpu.memory_space<hbm>> -> memref<1024xf32, #tpu.memory_space<hbm>>
      tpu.wait_dma2 semaphore(%run_scoped3A : memref<!tpu.dma_semaphore, #tpu.memory_space<semaphore_mem>>) src(%dma_wait3A_60 : memref<1024xf32, #tpu.memory_space<hbm>>) dst(%arg6 : memref<1024xf32, #tpu.memory_space<vmem>>)
      tpu.yield
    }) : () -> ()
    %broadcast_in_dim3A_29 = arith.constant 0.000000e+00 : f32
    %broadcast_in_dim3A_30 = vector.broadcast %broadcast_in_dim3A_29 : f32 to vector<16xf32>
    %broadcast_in_dim3A_31 = arith.constant 1.000000e+00 : f32
    %broadcast_in_dim3A_32 = vector.broadcast %broadcast_in_dim3A_31 : f32 to vector<16xf32>
    %scan3A_33 = arith.constant 0 : i32
    %scan3A_34 = arith.constant 40 : i32
    %scan3A_35 = arith.addi %scan3A_33, %scan3A_34 : i32
    %scan3A_36 = arith.constant 1 : i32
    %scan3A_37:2 = scf.for %scan3A_51 = %scan3A_33 to %scan3A_35 step %scan3A_36 iter_args(%scan3A_52 = %broadcast_in_dim3A_30, %scan3A_53 = %broadcast_in_dim3A_32) -> (vector<16xf32>, vector<16xf32>)  : i32 {
      %add3A_54 = arith.addf %scan3A_52, %scan3A_53 : vector<16xf32>
      %mul3A_55 = arith.constant 5.000000e-01 : f32
      %mul3A_56 = vector.broadcast %mul3A_55 : f32 to vector<16xf32>
      %mul3A_57 = arith.mulf %mul3A_56, %add3A_54 : vector<16xf32>
      %broadcast_in_dim3A_58 = arith.constant 0.000000e+00 : f32
      %broadcast_in_dim3A_59 = vector.broadcast %broadcast_in_dim3A_58 : f32 to vector<16xf32>
      %scan3A_60 = arith.constant 0 : i32
      %scan3A_61 = arith.constant 64 : i32
      %scan3A_62 = arith.addi %scan3A_60, %scan3A_61 : i32
      %scan3A_63 = arith.constant 1 : i32
      %scan3A_64 = scf.for %scan3A_122 = %scan3A_60 to %scan3A_62 step %scan3A_63 iter_args(%scan3A_123 = %broadcast_in_dim3A_59) -> (vector<16xf32>)  : i32 {
        %mul3A_124 = arith.constant 16 : i32
        %mul3A_125 = arith.muli %scan3A_122, %mul3A_124 : i32
        %get3A = arith.index_cast %mul3A_125 : i32 to index
        %get3A_126 = tpu.vector_load %arg6[%get3A] {strides = array<i32>} : memref<1024xf32, #tpu.memory_space<vmem>>, vector<16xf32>,
        %get3A_127 = vector.shape_cast %get3A_126 : vector<16xf32> to vector<16xf32>
        %ge3A_128 = arith.cmpf oge, %get3A_127, %mul3A_57 : vector<16xf32>
        %jit3A = arith.constant 1.000000e+00 : f32
        %jit3A_129 = arith.constant 0.000000e+00 : f32
        %broadcast_in_dim3A_130 = vector.broadcast %jit3A : f32 to vector<16xf32>
        %broadcast_in_dim3A_131 = vector.broadcast %jit3A_129 : f32 to vector<16xf32>
        %select_n3A_132 = arith.select %ge3A_128, %broadcast_in_dim3A_130, %broadcast_in_dim3A_131 : vector<16xi1>, vector<16xf32>
        %add3A_133 = arith.addf %scan3A_123, %select_n3A_132 : vector<16xf32>
        scf.yield %add3A_133 : vector<16xf32>
      }
      %scan3A_65 = arith.constant 64 : i32
      %iota3A = tpu.iota {dimensions = array<i32: 0>} : vector<16xi32>
      %xor3A = arith.constant 8 : i32
      %xor3A_66 = vector.broadcast %xor3A : i32 to vector<16xi32>
      %xor3A_67 = arith.xori %iota3A, %xor3A_66 : vector<16xi32>
      %lt3A = arith.constant 0 : i32
      %lt3A_68 = vector.broadcast %lt3A : i32 to vector<16xi32>
      %lt3A_69 = arith.cmpi slt, %xor3A_67, %lt3A_68 : vector<16xi32>
      %add3A_70 = arith.constant 16 : i32
      %add3A_71 = vector.broadcast %add3A_70 : i32 to vector<16xi32>
      %add3A_72 = arith.addi %xor3A_67, %add3A_71 : vector<16xi32>
      %select_n3A = arith.select %lt3A_69, %add3A_72, %xor3A_67 : vector<16xi1>, vector<16xi32>
      %broadcast_in_dim3A_73 = vector.shape_cast %select_n3A : vector<16xi32> to vector<16x1xi32>
      %gather3A = vector.shape_cast %broadcast_in_dim3A_73 : vector<16x1xi32> to vector<16xi32>
      %gather3A_74 = tpu.dynamic_gather %scan3A_64[%gather3A] in [0] : vector<16xf32>, vector<16xi32> -> vector<16xf32>
      %add3A_75 = arith.addf %scan3A_64, %gather3A_74 : vector<16xf32>
      %xor3A_76 = arith.constant 4 : i32
      %xor3A_77 = vector.broadcast %xor3A_76 : i32 to vector<16xi32>
      %xor3A_78 = arith.xori %iota3A, %xor3A_77 : vector<16xi32>
      %lt3A_79 = arith.constant 0 : i32
      %lt3A_80 = vector.broadcast %lt3A_79 : i32 to vector<16xi32>
      %lt3A_81 = arith.cmpi slt, %xor3A_78, %lt3A_80 : vector<16xi32>
      %add3A_82 = arith.constant 16 : i32
      %add3A_83 = vector.broadcast %add3A_82 : i32 to vector<16xi32>
      %add3A_84 = arith.addi %xor3A_78, %add3A_83 : vector<16xi32>
      %select_n3A_85 = arith.select %lt3A_81, %add3A_84, %xor3A_78 : vector<16xi1>, vector<16xi32>
      %broadcast_in_dim3A_86 = vector.shape_cast %select_n3A_85 : vector<16xi32> to vector<16x1xi32>
      %gather3A_87 = vector.shape_cast %broadcast_in_dim3A_86 : vector<16x1xi32> to vector<16xi32>
      %gather3A_88 = tpu.dynamic_gather %add3A_75[%gather3A_87] in [0] : vector<16xf32>, vector<16xi32> -> vector<16xf32>
      %add3A_89 = arith.addf %add3A_75, %gather3A_88 : vector<16xf32>
      %xor3A_90 = arith.constant 2 : i32
      %xor3A_91 = vector.broadcast %xor3A_90 : i32 to vector<16xi32>
      %xor3A_92 = arith.xori %iota3A, %xor3A_91 : vector<16xi32>
      %lt3A_93 = arith.constant 0 : i32
      %lt3A_94 = vector.broadcast %lt3A_93 : i32 to vector<16xi32>
      %lt3A_95 = arith.cmpi slt, %xor3A_92, %lt3A_94 : vector<16xi32>
      %add3A_96 = arith.constant 16 : i32
      %add3A_97 = vector.broadcast %add3A_96 : i32 to vector<16xi32>
      %add3A_98 = arith.addi %xor3A_92, %add3A_97 : vector<16xi32>
      %select_n3A_99 = arith.select %lt3A_95, %add3A_98, %xor3A_92 : vector<16xi1>, vector<16xi32>
      %broadcast_in_dim3A_100 = vector.shape_cast %select_n3A_99 : vector<16xi32> to vector<16x1xi32>
      %gather3A_101 = vector.shape_cast %broadcast_in_dim3A_100 : vector<16x1xi32> to vector<16xi32>
      %gather3A_102 = tpu.dynamic_gather %add3A_89[%gather3A_101] in [0] : vector<16xf32>, vector<16xi32> -> vector<16xf32>
      %add3A_103 = arith.addf %add3A_89, %gather3A_102 : vector<16xf32>
      %xor3A_104 = arith.constant 1 : i32
      %xor3A_105 = vector.broadcast %xor3A_104 : i32 to vector<16xi32>
      %xor3A_106 = arith.xori %iota3A, %xor3A_105 : vector<16xi32>
      %lt3A_107 = arith.constant 0 : i32
      %lt3A_108 = vector.broadcast %lt3A_107 : i32 to vector<16xi32>
      %lt3A_109 = arith.cmpi slt, %xor3A_106, %lt3A_108 : vector<16xi32>
      %add3A_110 = arith.constant 16 : i32
      %add3A_111 = vector.broadcast %add3A_110 : i32 to vector<16xi32>
      %add3A_112 = arith.addi %xor3A_106, %add3A_111 : vector<16xi32>
      %select_n3A_113 = arith.select %lt3A_109, %add3A_112, %xor3A_106 : vector<16xi1>, vector<16xi32>
      %broadcast_in_dim3A_114 = vector.shape_cast %select_n3A_113 : vector<16xi32> to vector<16x1xi32>
      %gather3A_115 = vector.shape_cast %broadcast_in_dim3A_114 : vector<16x1xi32> to vector<16xi32>
      %gather3A_116 = tpu.dynamic_gather %add3A_103[%gather3A_115] in [0] : vector<16xf32>, vector<16xi32> -> vector<16xf32>
      %add3A_117 = arith.addf %add3A_103, %gather3A_116 : vector<16xf32>
      %ge3A = arith.constant 1.540000e+02 : f32
      %ge3A_118 = vector.broadcast %ge3A : f32 to vector<16xf32>
      %ge3A_119 = arith.cmpf oge, %add3A_117, %ge3A_118 : vector<16xf32>
      %select_n3A_120 = arith.select %ge3A_119, %mul3A_57, %scan3A_52 : vector<16xi1>, vector<16xf32>
      %select_n3A_121 = arith.select %ge3A_119, %scan3A_53, %mul3A_57 : vector<16xi1>, vector<16xf32>
      scf.yield %select_n3A_120, %select_n3A_121 : vector<16xf32>, vector<16xf32>
    }
    %scan3A_38 = arith.constant 40 : i32
    %scan3A_39 = arith.constant 0 : i32
    %scan3A_40 = arith.constant 0 : i32
    %scan3A_41 = arith.constant 64 : i32
    %scan3A_42 = arith.addi %scan3A_40, %scan3A_41 : i32
    %scan3A_43 = arith.constant 1 : i32
    scf.for %scan3A_51 = %scan3A_40 to %scan3A_42 step %scan3A_43  : i32 {
      %mul3A_52 = arith.constant 16 : i32
      %mul3A_53 = arith.muli %scan3A_51, %mul3A_52 : i32
      %get3A = arith.index_cast %mul3A_53 : i32 to index
      %get3A_54 = tpu.vector_load %arg6[%get3A] {strides = array<i32>} : memref<1024xf32, #tpu.memory_space<vmem>>, vector<16xf32>,
      %get3A_55 = vector.shape_cast %get3A_54 : vector<16xf32> to vector<16xf32>
      %ge3A = arith.cmpf oge, %get3A_55, %scan3A_37#0 : vector<16xf32>
      %jit3A = arith.constant 1.000000e+00 : f32
      %jit3A_56 = arith.constant 0.000000e+00 : f32
      %broadcast_in_dim3A_57 = vector.broadcast %jit3A : f32 to vector<16xf32>
      %broadcast_in_dim3A_58 = vector.broadcast %jit3A_56 : f32 to vector<16xf32>
      %select_n3A = arith.select %ge3A, %broadcast_in_dim3A_57, %broadcast_in_dim3A_58 : vector<16xi1>, vector<16xf32>
      %mul3A_59 = arith.constant 16 : i32
      %mul3A_60 = arith.muli %scan3A_51, %mul3A_59 : i32
      %swap3A = arith.index_cast %mul3A_60 : i32 to index
      %swap3A_61 = tpu.vector_load %arg7[%swap3A] {strides = array<i32>} : memref<1024xf32, #tpu.memory_space<vmem>>, vector<16xf32>,
      %swap3A_62 = vector.shape_cast %swap3A_61 : vector<16xf32> to vector<16xf32>
      %swap3A_63 = vector.shape_cast %select_n3A : vector<16xf32> to vector<16xf32>
      tpu.vector_store %arg7[%swap3A], %swap3A_63 {strides = array<i32>} : memref<1024xf32, #tpu.memory_space<vmem>>, vector<16xf32>,
    }
    %scan3A_44 = arith.constant 64 : i32
    "tpu.region"() ({
      %run_scoped3A = tpu.sem_alloc : memref<!tpu.dma_semaphore, #tpu.memory_space<semaphore_mem>>
      %dma_start3A = arith.constant 0 : i32
      %dma_start3A_51 = tpu.memref_slice %arg4[%add3A_28, %dma_start3A] : memref<64x1024xf32, #tpu.memory_space<hbm>> -> memref<1x1024xf32, #tpu.memory_space<hbm>>
      %dma_start3A_52 = tpu.memref_squeeze %dma_start3A_51 : memref<1x1024xf32, #tpu.memory_space<hbm>> -> memref<1024xf32, #tpu.memory_space<hbm>>
      %dma_start3A_53 = arith.constant 0 : i32
      %dma_start3A_54 = tpu.memref_slice %arg4[%add3A_28, %dma_start3A_53] : memref<64x1024xf32, #tpu.memory_space<hbm>> -> memref<1x1024xf32, #tpu.memory_space<hbm>>
      %dma_start3A_55 = tpu.memref_squeeze %dma_start3A_54 : memref<1x1024xf32, #tpu.memory_space<hbm>> -> memref<1024xf32, #tpu.memory_space<hbm>>
      tpu.enqueue_dma source(%arg7 : memref<1024xf32, #tpu.memory_space<vmem>>) target(%dma_start3A_55 : memref<1024xf32, #tpu.memory_space<hbm>>) target_semaphore(%run_scoped3A : memref<!tpu.dma_semaphore, #tpu.memory_space<semaphore_mem>>)
      %dma_wait3A = arith.constant 0 : i32
      %dma_wait3A_56 = tpu.memref_slice %arg4[%add3A_28, %dma_wait3A] : memref<64x1024xf32, #tpu.memory_space<hbm>> -> memref<1x1024xf32, #tpu.memory_space<hbm>>
      %dma_wait3A_57 = tpu.memref_squeeze %dma_wait3A_56 : memref<1x1024xf32, #tpu.memory_space<hbm>> -> memref<1024xf32, #tpu.memory_space<hbm>>
      %dma_wait3A_58 = arith.constant 0 : i32
      %dma_wait3A_59 = tpu.memref_slice %arg4[%add3A_28, %dma_wait3A_58] : memref<64x1024xf32, #tpu.memory_space<hbm>> -> memref<1x1024xf32, #tpu.memory_space<hbm>>
      %dma_wait3A_60 = tpu.memref_squeeze %dma_wait3A_59 : memref<1x1024xf32, #tpu.memory_space<hbm>> -> memref<1024xf32, #tpu.memory_space<hbm>>
      tpu.wait_dma2 semaphore(%run_scoped3A : memref<!tpu.dma_semaphore, #tpu.memory_space<semaphore_mem>>) src(%arg7 : memref<1024xf32, #tpu.memory_space<vmem>>) dst(%dma_wait3A_60 : memref<1024xf32, #tpu.memory_space<hbm>>)
      tpu.yield
    }) : () -> ()
    "tpu.region"() ({
      %run_scoped3A = tpu.sem_alloc : memref<!tpu.dma_semaphore, #tpu.memory_space<semaphore_mem>>
      %dma_start3A = arith.constant 0 : i32
      %dma_start3A_51 = tpu.memref_slice %arg3[%add3A_28, %dma_start3A] : memref<64x1024xf32, #tpu.memory_space<hbm>> -> memref<1x1024xf32, #tpu.memory_space<hbm>>
      %dma_start3A_52 = tpu.memref_squeeze %dma_start3A_51 : memref<1x1024xf32, #tpu.memory_space<hbm>> -> memref<1024xf32, #tpu.memory_space<hbm>>
      %dma_start3A_53 = arith.constant 0 : i32
      %dma_start3A_54 = tpu.memref_slice %arg3[%add3A_28, %dma_start3A_53] : memref<64x1024xf32, #tpu.memory_space<hbm>> -> memref<1x1024xf32, #tpu.memory_space<hbm>>
      %dma_start3A_55 = tpu.memref_squeeze %dma_start3A_54 : memref<1x1024xf32, #tpu.memory_space<hbm>> -> memref<1024xf32, #tpu.memory_space<hbm>>
      tpu.enqueue_dma source(%dma_start3A_55 : memref<1024xf32, #tpu.memory_space<hbm>>) target(%arg6 : memref<1024xf32, #tpu.memory_space<vmem>>) target_semaphore(%run_scoped3A : memref<!tpu.dma_semaphore, #tpu.memory_space<semaphore_mem>>)
      %dma_wait3A = arith.constant 0 : i32
      %dma_wait3A_56 = tpu.memref_slice %arg3[%add3A_28, %dma_wait3A] : memref<64x1024xf32, #tpu.memory_space<hbm>> -> memref<1x1024xf32, #tpu.memory_space<hbm>>
      %dma_wait3A_57 = tpu.memref_squeeze %dma_wait3A_56 : memref<1x1024xf32, #tpu.memory_space<hbm>> -> memref<1024xf32, #tpu.memory_space<hbm>>
      %dma_wait3A_58 = arith.constant 0 : i32
      %dma_wait3A_59 = tpu.memref_slice %arg3[%add3A_28, %dma_wait3A_58] : memref<64x1024xf32, #tpu.memory_space<hbm>> -> memref<1x1024xf32, #tpu.memory_space<hbm>>
      %dma_wait3A_60 = tpu.memref_squeeze %dma_wait3A_59 : memref<1x1024xf32, #tpu.memory_space<hbm>> -> memref<1024xf32, #tpu.memory_space<hbm>>
      tpu.wait_dma2 semaphore(%run_scoped3A : memref<!tpu.dma_semaphore, #tpu.memory_space<semaphore_mem>>) src(%dma_wait3A_60 : memref<1024xf32, #tpu.memory_space<hbm>>) dst(%arg6 : memref<1024xf32, #tpu.memory_space<vmem>>)
      tpu.yield
    }) : () -> ()
    %scan3A_45 = arith.constant 0 : i32
    %scan3A_46 = arith.constant 0 : i32
    %scan3A_47 = arith.constant 64 : i32
    %scan3A_48 = arith.addi %scan3A_46, %scan3A_47 : i32
    %scan3A_49 = arith.constant 1 : i32
    scf.for %scan3A_51 = %scan3A_46 to %scan3A_48 step %scan3A_49  : i32 {
      %mul3A_52 = arith.constant 16 : i32
      %mul3A_53 = arith.muli %scan3A_51, %mul3A_52 : i32
      %get3A = arith.index_cast %mul3A_53 : i32 to index
      %get3A_54 = tpu.vector_load %arg6[%get3A] {strides = array<i32>} : memref<1024xf32, #tpu.memory_space<vmem>>, vector<16xf32>,
      %get3A_55 = vector.shape_cast %get3A_54 : vector<16xf32> to vector<16xf32>
      %lt3A = arith.constant 5.000000e-01 : f32
      %lt3A_56 = vector.broadcast %lt3A : f32 to vector<16xf32>
      %lt3A_57 = arith.cmpf olt, %get3A_55, %lt3A_56 : vector<16xf32>
      %jit3A = arith.constant 1.000000e+00 : f32
      %jit3A_58 = arith.constant 0.000000e+00 : f32
      %broadcast_in_dim3A_59 = vector.broadcast %jit3A : f32 to vector<16xf32>
      %broadcast_in_dim3A_60 = vector.broadcast %jit3A_58 : f32 to vector<16xf32>
      %select_n3A = arith.select %lt3A_57, %broadcast_in_dim3A_59, %broadcast_in_dim3A_60 : vector<16xi1>, vector<16xf32>
      %mul3A_61 = arith.constant 16 : i32
      %mul3A_62 = arith.muli %scan3A_51, %mul3A_61 : i32
      %swap3A = arith.index_cast %mul3A_62 : i32 to index
      %swap3A_63 = tpu.vector_load %arg7[%swap3A] {strides = array<i32>} : memref<1024xf32, #tpu.memory_space<vmem>>, vector<16xf32>,
      %swap3A_64 = vector.shape_cast %swap3A_63 : vector<16xf32> to vector<16xf32>
      %swap3A_65 = vector.shape_cast %select_n3A : vector<16xf32> to vector<16xf32>
      tpu.vector_store %arg7[%swap3A], %swap3A_65 {strides = array<i32>} : memref<1024xf32, #tpu.memory_space<vmem>>, vector<16xf32>,
    }
    %scan3A_50 = arith.constant 64 : i32
    "tpu.region"() ({
      %run_scoped3A = tpu.sem_alloc : memref<!tpu.dma_semaphore, #tpu.memory_space<semaphore_mem>>
      %dma_start3A = arith.constant 0 : i32
      %dma_start3A_51 = tpu.memref_slice %arg5[%add3A_28, %dma_start3A] : memref<64x1024xf32, #tpu.memory_space<hbm>> -> memref<1x1024xf32, #tpu.memory_space<hbm>>
      %dma_start3A_52 = tpu.memref_squeeze %dma_start3A_51 : memref<1x1024xf32, #tpu.memory_space<hbm>> -> memref<1024xf32, #tpu.memory_space<hbm>>
      %dma_start3A_53 = arith.constant 0 : i32
      %dma_start3A_54 = tpu.memref_slice %arg5[%add3A_28, %dma_start3A_53] : memref<64x1024xf32, #tpu.memory_space<hbm>> -> memref<1x1024xf32, #tpu.memory_space<hbm>>
      %dma_start3A_55 = tpu.memref_squeeze %dma_start3A_54 : memref<1x1024xf32, #tpu.memory_space<hbm>> -> memref<1024xf32, #tpu.memory_space<hbm>>
      tpu.enqueue_dma source(%arg7 : memref<1024xf32, #tpu.memory_space<vmem>>) target(%dma_start3A_55 : memref<1024xf32, #tpu.memory_space<hbm>>) target_semaphore(%run_scoped3A : memref<!tpu.dma_semaphore, #tpu.memory_space<semaphore_mem>>)
      %dma_wait3A = arith.constant 0 : i32
      %dma_wait3A_56 = tpu.memref_slice %arg5[%add3A_28, %dma_wait3A] : memref<64x1024xf32, #tpu.memory_space<hbm>> -> memref<1x1024xf32, #tpu.memory_space<hbm>>
      %dma_wait3A_57 = tpu.memref_squeeze %dma_wait3A_56 : memref<1x1024xf32, #tpu.memory_space<hbm>> -> memref<1024xf32, #tpu.memory_space<hbm>>
      %dma_wait3A_58 = arith.constant 0 : i32
      %dma_wait3A_59 = tpu.memref_slice %arg5[%add3A_28, %dma_wait3A_58] : memref<64x1024xf32, #tpu.memory_space<hbm>> -> memref<1x1024xf32, #tpu.memory_space<hbm>>
      %dma_wait3A_60 = tpu.memref_squeeze %dma_wait3A_59 : memref<1x1024xf32, #tpu.memory_space<hbm>> -> memref<1024xf32, #tpu.memory_space<hbm>>
      tpu.wait_dma2 semaphore(%run_scoped3A : memref<!tpu.dma_semaphore, #tpu.memory_space<semaphore_mem>>) src(%arg7 : memref<1024xf32, #tpu.memory_space<vmem>>) dst(%dma_wait3A_60 : memref<1024xf32, #tpu.memory_space<hbm>>)
      tpu.yield
    }) : () -> ()
    return
  }
}

module attributes {stable_mosaic.version = 14 : i64} {
  func.func @_patches_body(%arg0: i32, %arg1: i32, %arg2: memref<1x3x64x512xf32, #tpu.memory_space<vmem>>, %arg3: memref<1x128x768xf32, #tpu.memory_space<vmem>>) attributes {dimension_semantics = [#tpu.dimension_semantics<parallel>, #tpu.dimension_semantics<arbitrary>], iteration_bounds = array<i64: 64, 8>, scalar_prefetch = 0 : i64, scratch_operands = 0 : i64, tpu.core_type = #tpu.core_type<tc>, window_params = [{transform_indices = @transform_0, window_bounds = array<i64: 1, 3, 64, 512>}, {transform_indices = @transform_1, window_bounds = array<i64: 1, 128, 768>}]} {
    %get3A = arith.constant 0 : index
    %get3A_0 = arith.constant 0 : index
    %get3A_1 = arith.constant 0 : index
    %get3A_2 = arith.constant 0 : index
    %get3A_3 = vector.load %arg2[%get3A, %get3A_0, %get3A_1, %get3A_2] : memref<1x3x64x512xf32, #tpu.memory_space<vmem>>, vector<1x3x64x512xf32>
    %get3A_4 = vector.shape_cast %get3A_3 : vector<1x3x64x512xf32> to vector<3x64x512xf32>
    %reshape3A = vector.shape_cast %get3A_4 : vector<3x64x512xf32> to vector<3x4x16x512xf32>
    %transpose3A = tpu.transpose %reshape3A, [1, 0, 2, 3] : vector<3x4x16x512xf32> -> vector<4x3x16x512xf32>
    %reshape3A_5 = vector.shape_cast %transpose3A : vector<4x3x16x512xf32> to vector<4x48x512xf32>
    %transpose3A_6 = tpu.transpose %reshape3A_5, [0, 2, 1] : vector<4x48x512xf32> -> vector<4x512x48xf32>
    %reshape3A_7 = vector.shape_cast %transpose3A_6 : vector<4x512x48xf32> to vector<4x32x16x48xf32>
    %transpose3A_8 = tpu.transpose %reshape3A_7, [2, 0, 1, 3] : vector<4x32x16x48xf32> -> vector<16x4x32x48xf32>
    %reshape3A_9 = vector.shape_cast %transpose3A_8 : vector<16x4x32x48xf32> to vector<16x128x48xf32>
    %transpose3A_10 = tpu.transpose %reshape3A_9, [0, 2, 1] : vector<16x128x48xf32> -> vector<16x48x128xf32>
    %reshape3A_11 = vector.shape_cast %transpose3A_10 : vector<16x48x128xf32> to vector<16x3x16x128xf32>
    %transpose3A_12 = tpu.transpose %reshape3A_11, [2, 0, 1, 3] : vector<16x3x16x128xf32> -> vector<16x16x3x128xf32>
    %reshape3A_13 = vector.shape_cast %transpose3A_12 : vector<16x16x3x128xf32> to vector<768x128xf32>
    %transpose3A_14 = tpu.transpose %reshape3A_13, [1, 0] : vector<768x128xf32> -> vector<128x768xf32>
    %swap3A = arith.constant 0 : index
    %swap3A_15 = arith.constant 0 : index
    %swap3A_16 = arith.constant 0 : index
    %swap3A_17 = vector.load %arg3[%swap3A, %swap3A_15, %swap3A_16] : memref<1x128x768xf32, #tpu.memory_space<vmem>>, vector<1x128x768xf32>
    %swap3A_18 = vector.shape_cast %swap3A_17 : vector<1x128x768xf32> to vector<128x768xf32>
    %swap3A_19 = vector.shape_cast %transpose3A_14 : vector<128x768xf32> to vector<1x128x768xf32>
    tpu.vector_store %arg3[%swap3A, %swap3A_15, %swap3A_16], %swap3A_19 {strides = array<i32>} : memref<1x128x768xf32, #tpu.memory_space<vmem>>, vector<1x128x768xf32>,
    return
  }
  func.func @transform_0(%arg0: i32, %arg1: i32) -> (i32, i32, i32, i32) {
    %c0_i32 = arith.constant 0 : i32
    %c0_i32_0 = arith.constant 0 : i32
    %c0_i32_1 = arith.constant 0 : i32
    return %arg0, %c0_i32, %arg1, %c0_i32_0 : i32, i32, i32, i32
  }
  func.func @transform_1(%arg0: i32, %arg1: i32) -> (i32, i32, i32) {
    %c0_i32 = arith.constant 0 : i32
    %c0_i32_0 = arith.constant 0 : i32
    return %arg0, %arg1, %c0_i32 : i32, i32, i32
  }
}

</mosaic_0001>

<sc_bundles>
// kernel: kernel.4.cloned.1.call-start
scs
__scs_entry_jumppad:
0x0: {  	(pc) =	sbr.rel $0x88, $3  }
0x1: {  	(tag) =	ssettag $0x0;
	lr =	simm.s32 $0x1  }
0x2: {  	[smem:$0x3FA0] =	sst lr;
	_ =	strace $0xD0000000  }
0x3: {  	_ = 	snop  }
0x4: {  	_ = 	snop  }
0x5: {  	_ = 	snop  }
0x6: {  	_ = 	snop  }
0x7: {  	_ = 	snop  }
__scs_overlays_trampoline_lowered:
0x8: {  	[smem:$0x3FAF] =	sst s0  }
0x9: {  	[smem:$0x3FB0] =	sst s1  }
0xa: {  	[smem:$0x3FB1] =	sst s2  }
0xb: {  	[smem:$0x3FB2] =	sst s3  }
0xc: {  	[smem:$0x3FB3] =	sst s4  }
0xd: {  	[smem:$0x3FB4] =	sst s5  }
0xe: {  	[smem:$0x3FB5] =	sst s6  }
0xf: {  	[smem:$0x3FB6] =	sst s7  }
0x10: {  	[smem:$0x3FB7] =	sst s8  }
0x11: {  	[smem:$0x3FB8] =	sst s9;
	s0 =	simm.s32 @!p0 $0x0  }
0x12: {  	s1 =	sld [smem:$0x3F9E];
	s0 =	simm.s32 @p0 $0x1  }
0x13: {  	[smem:$0x3FB9] =	sst s0;
	s0 =	simm.s32 @!p1 $0x0  }
0x14: {  	s2 =	sld [smem:$0x3F9D];
	s0 =	simm.s32 @p1 $0x1  }
0x15: {  	[smem:$0x3FBA] =	sst s0;
	s0 =	simm.s32 @!p2 $0x0  }
0x16: {  	s3 =	sld [smem:$0x3FDB];
	s0 =	simm.s32 @p2 $0x1  }
0x17: {  	s4 =	simm.s32 $0x1BF5;
	[smem:$0x3FBC] =	sst s0  }
0x18: {  	s0 =	sld [smem:$0x3F9F];
	_ =	swait.ge [sflag:s4], $0x0  }
0x19: {  	s7 =	sld [smem:$0x3FA0]  }
0x1a: {  	s8 =	sadd.s32 $0xFFFFE003, lr  }
0x1b: {  	s9 =	sadd.s32 $0xFFFFFEF7, lr;
	s5 =	simm.s32 $0xFFFFFFFF;
	p2 =	slt.u32 s8, $0xFFFFF086  }
0x1c: {  	p1 =	slt.u32 s9, $0xF7A;
	s5 =	simm.s32 @!p2 $0x0  }
0x1d: {  	s5 =	simm.s32 @p1 $0x1;
	p0 =	seq.s32 s7, s2  }
0x1e: {  	s7 =	smul.u32 @!p0 $0xF7A, s2;
	p2 =	seq.s32 @!p0 s5, $0x0  }
0x1f: {  	s9 =	smul.u32 $0xF7A, s1;
	s8 =	simm.s32 @!p0 $0x1BF5;
	p2 =	por !p2, p0  }
0x20: {  	[sflag:s8] =	ssyncset.s32 @!p0 $0xFFFFF086;
	s6 =	sadd.s32 @!p0 s3, s7;
	s7 =	simm.s32 @!p0 $0x108  }
0x21: {  	s3 =	sadd.s32 s3, s9;
	s6 =	sadd.s32 @!p0 $0x88, s6;
	s7 =	simm.s32 @p2 $0x1082  }
0x22: {  	[simem:s7], [sflag:s8] =	dma.local @!p0 [hbm:s6], $0xF7A  }
0x23: {  	s9 =	sor.u32 $0xD0000000, s2;
	s6 =	simm.s32 $0x108;
	_ =	swait.ge @!p0 [sflag:s8], $0x0  }
0x24: {  	s3 =	sadd.s32 $0x88, s3;
	s6 =	simm.s32 @!p1 $0x1082;
	[sflag:s4] =	ssyncset.s32 $0xFFFFF086  }
0x25: {  	[simem:s6], [sflag:s4] =	dma.local [hbm:s3], $0xF7A  }
0x26: {  	[smem:$0x3FA0] =	sst s1;
	(tag) =	ssettag s2;
	_ =	strace s9  }
0x27: {  	s1 =	sld [smem:$0x3FB0]  }
0x28: {  	s2 =	sld [smem:$0x3FB1]  }
0x29: {  	s4 =	sld [smem:$0x3FB3]  }
0x2a: {  	p0 =	seq.s32 s5, $0x0;
	s5 =	sld [smem:$0x3FB4]  }
0x2b: {  	s6 =	sld [smem:$0x3FB5]  }
0x2c: {  	s7 =	sld [smem:$0x3FB6]  }
0x2d: {  	s3 =	simm.s32 $0x108;
	s8 =	sld [smem:$0x3FB7]  }
0x2e: {  	s3 =	simm.s32 @!p0 $0x1082;
	s9 =	sld [smem:$0x3FB8]  }
0x2f: {  	lr =	sadd.s32 s0, s3;
	s0 =	sld [smem:$0x3FAF]  }
0x30: {  	s3 =	sld [smem:$0x3FB2]  }
0x31: {  	[smem:$0x3FBB] =	sst s10  }
0x32: {  	s10 =	sld [smem:$0x3FB9];
	_ =	sdelay $0x3  }
0x33: {  	p0 =	seq.s32 s10, $0x1;
	s10 =	sld [smem:$0x3FBB];
	_ =	sdelay $0x3  }
0x34: {  	[smem:$0x3FBB] =	sst s10  }
0x35: {  	s10 =	sld [smem:$0x3FBA];
	_ =	sdelay $0x3  }
0x36: {  	p1 =	seq.s32 s10, $0x1;
	s10 =	sld [smem:$0x3FBB];
	_ =	sdelay $0x3  }
0x37: {  	[smem:$0x3FBB] =	sst s10  }
0x38: {  	s10 =	sld [smem:$0x3FBC]  }
0x39: {  	_ = 	snop;
	(pc) =	sbr.ind lr, $3  }
0x3a: {  	_ = 	snop  }
0x3b: {  	_ = 	snop  }
0x3c: {  	p2 =	seq.s32 s10, $0x1;
	s10 =	sld [smem:$0x3FBB]  }
0x3d: {  	_ =	shalt  }
0x3e: {  	_ =	shalt  }
0x3f: {  	_ =	shalt  }
0x40: {  	_ =	shalt  }
0x41: {  	_ =	shalt  }
0x42: {  	_ =	shalt  }
0x43: {  	_ =	shalt  }
0x44: {  	_ =	shalt  }
0x45: {  	_ =	shalt  }
0x46: {  	_ =	shalt  }
0x47: {  	_ =	shalt  }
0x48: {  	_ =	shalt  }
0x49: {  	_ =	shalt  }
0x4a: {  	_ =	shalt  }
0x4b: {  	_ =	shalt  }
0x4c: {  	_ =	shalt  }
0x4d: {  	_ =	shalt  }
0x4e: {  	_ =	shalt  }
0x4f: {  	_ =	shalt  }
0x50: {  	_ =	shalt  }
0x51: {  	_ =	shalt  }
0x52: {  	_ =	shalt  }
0x53: {  	_ =	shalt  }
0x54: {  	_ =	shalt  }
0x55: {  	_ =	shalt  }
0x56: {  	_ =	shalt  }
0x57: {  	_ =	shalt  }
0x58: {  	_ =	shalt  }
0x59: {  	_ =	shalt  }
0x5a: {  	_ =	shalt  }
0x5b: {  	_ =	shalt  }
0x5c: {  	_ =	shalt  }
0x5d: {  	_ =	shalt  }
0x5e: {  	_ =	shalt  }
0x5f: {  	_ =	shalt  }
0x60: {  	_ =	shalt  }
0x61: {  	_ =	shalt  }
0x62: {  	_ =	shalt  }
0x63: {  	_ =	shalt  }
0x64: {  	_ =	shalt  }
0x65: {  	_ =	shalt  }
0x66: {  	_ =	shalt  }
0x67: {  	_ =	shalt  }
0x68: {  	_ =	shalt  }
0x69: {  	_ =	shalt  }
0x6a: {  	_ =	shalt  }
0x6b: {  	_ =	shalt  }
0x6c: {  	_ =	shalt  }
0x6d: {  	_ =	shalt  }
0x6e: {  	_ =	shalt  }
0x6f: {  	_ =	shalt  }
0x70: {  	_ =	shalt  }
0x71: {  	_ =	shalt  }
0x72: {  	_ =	shalt  }
0x73: {  	_ =	shalt  }
0x74: {  	_ =	shalt  }
0x75: {  	_ =	shalt  }
0x76: {  	_ =	shalt  }
0x77: {  	_ =	shalt  }
0x78: {  	_ =	shalt  }
0x79: {  	_ =	shalt  }
0x7a: {  	_ =	shalt  }
0x7b: {  	_ =	shalt  }
0x7c: {  	_ =	shalt  }
0x7d: {  	_ =	shalt  }
0x7e: {  	_ =	shalt  }
0x7f: {  	_ =	shalt  }
0x80: {  	_ =	shalt  }
0x81: {  	_ =	shalt  }
0x82: {  	_ =	shalt  }
0x83: {  	_ =	shalt  }
0x84: {  	_ =	shalt  }
0x85: {  	_ =	shalt  }
0x86: {  	_ =	shalt  }
0x87: {  	_ =	shalt  }
.Lfunc_end0:
.L_simem_size_0:
called_computation_lowered:
.L_overlay_start_0:
0x88: {  	s2 =	sld [smem:$0x3FD9]  }
0x89: {  	s3 =	sld [smem:$0x3FFE];
	_ =	sdelay $0x1  }
0x8a: {  	s1 =	srdreg.scid  }
0x8b: {  	s0 =	sand.u32 $0x1, s1  }
0x8c: {  	s16 =	sshll.u32 s0, $0xA;
	s2 =	sadd.s32 s3, s2  }
0x8d: {  	s2 =	sadd.s32 s2, s16  }
0x8e: {  	[smem:$0x3FC7] =	sst s2  }
0x8f: {  	_ = 	snop  }
0x90: {  	(tm) =	ssettm $0x1  }
0x91: {  	s17 =	sld [smem:$0x3FFB];
	_ =	sdelay $0x3  }
0x92: {  	_ =	strace s17  }
0x93: {  	s2 =	sld [smem:$0x3FFC];
	_ =	sdelay $0x3  }
0x94: {  	_ =	strace s2  }
0x95: {  	s2 =	sld [smem:$0x3FFD];
	_ =	sdelay $0x3  }
0x96: {  	_ =	strace s2  }
0x97: {  	_ =	strace $0x8FFFFFFF  }
0x98: {  	s18 =	sld [smem:$0x3FDB];
	_ =	sdelay $0x1  }
0x99: {  	s19 =	simm.s32 $_scs_section_size  }
0x9a: {  	s4 =	simm.s32 $_size__tile_overlayer_lowered;
	s5 =	simm.s32 $_tile_overlayer_lowered  }
0x9b: {  	s22 =	simm.s32 $0x1BFF;
	s21 =	sshll.u32 s5, $0x1;
	s2 =	sadd.s32 s19, s18  }
0x9c: {  	s6 =	simm.s32 $0x0;
	s20 =	sshll.u32 s4, $0x1;
	s4 =	sadd.s32 s21, s2  }
0x9d: {  	[timem:s6], [sflag:s22] =	dma.local [hbm:s4], s20  }
0x9e: {  	_ =	swait.ge [sflag:s22], s20  }
0x9f: {  	s3 =	ssub.s32 $0x0, s20;
	[sflag:s22] =	ssyncset.done $0x0  }
0xa0: {  	[sflag:s22] =	ssyncadd.s32 s3;
	_ =	sdelay $0x1  }
0xa1: {  	s23 =	simm.s32 $0x1B8B  }
0xa2: {  	_ =	swait.ge [sflag:s23], $0x1  }
0xa3: {  	[sflag:s23] =	ssyncset.done $0x0  }
0xa4: {  	s25 =	simm.s32 $0x1B8E;
	s24 =	sld [smem:$0x3FFE];
	[sflag:s23] =	ssyncadd.s32 $0xFFFFFFFF  }
0xa5: {  	s26 =	simm.s32 $execute0_lowered;
	[smem:$0x3FD2] =	sst s25  }
0xa6: {  	s4 =	sshll.u32 s26, $0x1;
	_ =	strace $0x80000046;
	[dreg:$0x1] =	wrdreg $0xFFFFFFFF  }
0xa7: {  	s28 =	simm.s32 $_size_execute0_lowered;
	s2 =	sadd.s32 s2, s4;
	[dreg:$0x0] =	wrdreg $0x0  }
0xa8: {  	s4 =	sshll.u32 s28, $0x1;
	[dreg:$0x2] =	wrdreg s2  }
0xa9: {  	[dreg:$0x3] =	wrdreg s4  }
0xaa: {  	[dreg:$0x4] =	wrdreg $0xC0  }
0xab: {  	_ =	task [dreg:s6], $0x5FFFF  }
0xac: {  	[dreg:$0x1] =	wrdreg $0xFFFFFFFF  }
0xad: {  	[dreg:$0x0] =	wrdreg $0x60  }
0xae: {  	[dreg:$0x2] =	wrdreg s24  }
0xaf: {  	[dreg:$0x3] =	wrdreg $0x9  }
0xb0: {  	_ =	task.clear_ibuf [dreg:s6], $0x4FFFF;
	_ =	strace $0x90000046  }
0xb1: {  	s29 =	simm.s32 $0x9;
	_ =	strace $0x80000048  }
0xb2: {  	_ =	swait.ge [sflag:s29], $0x1  }
0xb3: {  	[sflag:s29] =	ssyncadd.s32 $0xFFFFFFFF  }
0xb4: {  	_ =	strace $0x90000048  }
0xb5: {  	_ =	sfence  }
0xb6: {  	s30 =	sld [smem:$0x0];
	_ =	sdelay $0x2  }
0xb7: {  	s31 =	sshll.u32 s1, $0xD;
	s1 =	sshrl.u32 s1, $0x2  }
0xb8: {  	s3 =	sand.u32 $0x4000, s31;
	s1 =	sadd.s32 s1, s30  }
0xb9: {  	s0 =	sor.u32 s3, s0;
	s1 =	sshll.u32 s1, $0x11  }
0xba: {  	s0 =	sor.u32 s1, s0  }
0xbb: {  	s0 =	sadd.s32 $0x8F2B, s0  }
0xbc: {  	[sflag:s0] =	ssyncadd.remote.s32 $0x1  }
0xbd: {  	_ =	sfence.sel $0xFFFF  }
0xbe: {  	[dreg:$0x0] =	wrdreg $0xFFFFFFFF;
	(pc) =	sbr.abs _section_cstart, $3  }
0xbf: {  	[dreg:$0x1] =	wrdreg $0xFFFFFFFF  }
0xc0: {  	_ =	task.clear_ibuf [dreg:s6], $0x2FFFF;
	_ =	strace $0x9FFFFFFF  }
0xc1: {  	(tm) =	ssettm $0x7FFFFFFF  }
tec
execute0_lowered:
.L_overlay_start_1:
0x0: {  	(tag) =	ssettag $0x1  }
0x1: {  	s2 =	rddreg [dreg:$0x0]  }
0x2: {  	s0 =	rddreg [dreg:$0x1];
	s1 =	simm.s32 $0x0;
	v0 =	vimm.s32 $0xFEDCBA98  }
0x3: {  	v1 =	vimm.s32 $0x76543210;
	s3 =	srdreg.scid;
	v2 =	vimm.s32 $0xBA98FEDC;
	s13 =	simm.s32 $0x400;
	s14 =	simm.s32 $0x1  }
0x4: {  	v3 =	vimm.s32 $0x32107654;
	v4 =	vimm.s32 $0xDCFE98BA;
	s15 =	simm.s32 $0x0;
	s7 =	sadd.s32 $0x3200, s2;
	s9 =	sadd.s32 $0x1200, s2  }
0x5: {  	v5 =	vimm.s32 $0x54761032;
	v6 =	vimm.s32 $0xEFCDAB89;
	s8 =	sadd.s32 $0x5200, s2;
	s10 =	sadd.s32 $0x7200, s2;
	s2 =	stileid.u32  }
0x6: {  	v7 =	vimm.s32 $0x67452301;
	[smem:$0x7FF] =	sst s1;
	v0 =	vunpack.c.l.s4.s8 v0;
	v1 =	vunpack.c.l.s4.s8 v1;
	s3 =	sand.u32 $0x1, s3;
	s4 =	sshll.u32 s2, $0x6  }
0x7: {  	v2 =	vunpack.c.l.s4.s8 v2;
	v3 =	vunpack.c.l.s4.s8 v3;
	v4 =	vunpack.c.l.s4.s8 v4;
	s5 =	sshll.u32 s2, $0x9;
	s6 =	sshll.u32 s3, $0x5;
	s4 =	sand.u32 $0x40, s4  }
0x8: {  	v5 =	vunpack.c.l.s4.s8 v5;
	v6 =	vunpack.c.l.s4.s8 v6;
	v7 =	vunpack.c.l.s4.s8 v7;
	s3 =	ssub.s32 $0x2, s3;
	s5 =	sand.u32 $0x1C00, s5;
	s4 =	sor.u32 s6, s4  }
0x9: {  	_ =	strace $0x80000047;
	v0 =	vunpack.c.0.s8.s32 v0;
	v1 =	vunpack.c.0.s8.s32 v1;
	s31 =	sshrl.u32 s3, $0x1;
	v2 =	vunpack.c.0.s8.s32 v2;
	s11 =	sor.u32 s5, s4  }
0xa: {  	v3 =	vunpack.c.0.s8.s32 v3;
	v4 =	vunpack.c.0.s8.s32 v4;
	v5 =	vunpack.c.0.s8.s32 v5;
	s12 =	ssub.s32 s3, s31;
	s3 =	sadd.s32 s7, s11;
	s4 =	sadd.s32 s8, s11  }
0xb: {  	v6 =	vunpack.c.0.s8.s32 v6;
	v7 =	vunpack.c.0.s8.s32 v7;
	v0 =	vand.u32 $0xF, v0;
	s5 =	sadd.s32 s9, s11;
	s6 =	sadd.s32 s10, s11;
	s11 =	sor.u32 $0x10, s11  }
0xc: {  	v0 =	vcombine.low v0, v1;
	v1 =	vcombine.low v3, v2;
	s7 =	sadd.s32 s7, s11;
	s8 =	sadd.s32 s8, s11;
	s9 =	sadd.s32 s9, s11  }
0xd: {  	v2 =	vcombine.low v5, v4;
	v3 =	vimm.f32 $0.0e+00;
	v4 =	vcombine.low v7, v6;
	s10 =	sadd.s32 s10, s11;
	s11 =	smax.u32 s12, $0x1;
	s12 =	simm.s32 $0x80  }
.LBB2_1:
0xe: {  	[tilespmem:s1], [sflag:$0x1] =	stream.strided.gather [hbm4b:s3+s12], $0x400, s13, s12, $0x38;
	[tilespmem:$0x800] =	vst v63  }
0xf: {  	_ =	swait.ge [sflag:s14], $0x400  }
0x10: {  	[sflag:s14] =	ssyncset.done $0x0  }
0x11: {  	v6 =	vimm.f32 $1.000000000e+00;
	v5 =	vimm.f32 $0.0e+00;
	s16 =	simm.s32 $0x0;
	[sflag:s14] =	ssyncadd.s32 $0xFFFFFC00  }
.LBB2_2:
0x12: {  	v7 =	vadd.f32 v6, v5;
	s18 =	simm.s32 $0x0  }
0x13: {  	v9 =	vld [tilespmem:s18+$0x0]  }
0x14: {  	v8 =	vimm.f32 $0.0e+00;
	s17 =	simm.s32 $0x40;
	v7 =	vmul.f32 $5.000000000e-01, v7  }
.LBB2_3:
0x15: {  	p0 =	sne.s32 s17, $0xFC0  }
.Ltmp0:
0x16: {  	_ = 	snop;
	(pc) =	sbr.rel @p0 .LBB2_3-.Ltmp0, $4  }
0x17: {  	_ = 	snop  }
0x18: {  	s18 =	sshra.s32 s17, $0x2;
	s17 =	sadd.s32 $0x40, s17;
	vm0 =	vge.f32 v9, v7  }
0x19: {  	v9 =	vld [tilespmem:s18+$0x0];
	v10 =	vsel vm0, $0x3F800000, v3  }
0x1a: {  	v8 =	vadd.f32 v10, v8  }
0x1b: {  	_ =	sdelay $0x2  }
0x1c: {  	vm0 =	vge.f32 v9, v7  }
0x1d: {  	v9 =	vsel vm0, $0x3F800000, v3  }
0x1e: {  	v8 =	vadd.f32 v9, v8;
	_ =	sdelay $0x1  }
0x1f: {  	v9 =	vperm.xlane v8, v0;
	_ =	sdelay $0x1  }
0x20: {  	v8 =	vadd.f32 v9, v8;
	_ =	sdelay $0x1  }
0x21: {  	v9 =	vperm.xlane v8, v1;
	_ =	sdelay $0x1  }
0x22: {  	v8 =	vadd.f32 v9, v8;
	_ =	sdelay $0x1  }
0x23: {  	v9 =	vperm.xlane v8, v2;
	_ =	sdelay $0x1  }
0x24: {  	v8 =	vadd.f32 v9, v8  }
0x25: {  	s16 =	sadd.s32 $0x1, s16  }
0x26: {  	p0 =	sne.s32 s16, $0x28;
	v9 =	vperm.xlane v8, v4  }
.Ltmp1:
0x27: {  	_ = 	snop;
	(pc) =	sbr.rel @p0 .LBB2_2-.Ltmp1, $3  }
0x28: {  	v8 =	vadd.f32 v9, v8;
	_ =	sdelay $0x1  }
0x29: {  	vm15 =	vge.f32 v8, $1.540000000e+02  }
0x2a: {  	v5 =	vsel vm15, v7, v5;
	v6 =	vsel vm15, v6, v7  }
0x2b: {  	s16 =	simm.s32 $0x0  }
0x2c: {  	v6 =	vld [tilespmem:s16+$0x0]  }
0x2d: {  	s17 =	simm.s32 $0x40  }
.LBB2_6:
0x2e: {  	p0 =	sne.s32 s17, $0xFC0  }
.Ltmp2:
0x2f: {  	_ = 	snop;
	(pc) =	sbr.rel @p0 .LBB2_6-.Ltmp2, $4  }
0x30: {  	_ = 	snop  }
0x31: {  	s18 =	sshra.s32 s17, $0x2;
	s17 =	sadd.s32 $0x40, s17;
	vm0 =	vge.f32 v6, v5  }
0x32: {  	v6 =	vld [tilespmem:s18+$0x0];
	v7 =	vsel vm0, $0x3F800000, v3  }
0x33: {  	[tilespmem:s16+$0x400] =	vst v7;
	s16 =	smov.u32 s18  }
0x34: {  	_ =	sdelay $0x2  }
0x35: {  	vm0 =	vge.f32 v6, v5  }
0x36: {  	v5 =	vsel vm0, $0x3F800000, v3  }
0x37: {  	[tilespmem:s16+$0x400] =	vst v5  }
0x38: {  	[hbm4b:s4+s12] =	stream.strided.scatter [tilespmem:s13], [sflag:$0x1], $0x400, s13, s12, $0x38;
	[tilespmem:$0x800] =	vst v63  }
0x39: {  	_ =	swait.ge [sflag:s14], $0x400  }
0x3a: {  	[sflag:s14] =	ssyncset.done $0x0  }
0x3b: {  	s31 =	simm.s32 $0x0;
	[sflag:s14] =	ssyncadd.s32 $0xFFFFFC00  }
0x3c: {  	[tilespmem:s31], [sflag:$0x1] =	stream.strided.gather [hbm4b:s5+s12], $0x400, s13, s12, $0x38;
	[tilespmem:$0x800] =	vst v63  }
0x3d: {  	_ =	swait.ge [sflag:s14], $0x400  }
0x3e: {  	[sflag:s14] =	ssyncset.done $0x0  }
0x3f: {  	s16 =	simm.s32 $0x0;
	[sflag:s14] =	ssyncadd.s32 $0xFFFFFC00  }
0x40: {  	v5 =	vld [tilespmem:s16+$0x0]  }
0x41: {  	s17 =	simm.s32 $0x40  }
.LBB2_8:
0x42: {  	p0 =	sne.s32 s17, $0xFC0  }
.Ltmp3:
0x43: {  	_ = 	snop;
	(pc) =	sbr.rel @p0 .LBB2_8-.Ltmp3, $4  }
0x44: {  	_ = 	snop  }
0x45: {  	s18 =	sshra.s32 s17, $0x2;
	s17 =	sadd.s32 $0x40, s17;
	vm0 =	vlt.f32 v5, $5.000000000e-01  }
0x46: {  	v5 =	vld [tilespmem:s18+$0x0];
	v6 =	vsel vm0, $0x3F800000, v3  }
0x47: {  	[tilespmem:s16+$0x400] =	vst v6;
	s16 =	smov.u32 s18  }
0x48: {  	_ =	sdelay $0x2  }
0x49: {  	vm0 =	vlt.f32 v5, $5.000000000e-01  }
0x4a: {  	v5 =	vsel vm0, $0x3F800000, v3  }
0x4b: {  	[tilespmem:s16+$0x400] =	vst v5  }
0x4c: {  	[hbm4b:s6+s12] =	stream.strided.scatter [tilespmem:s13], [sflag:$0x1], $0x400, s13, s12, $0x38;
	[tilespmem:$0x800] =	vst v63  }
0x4d: {  	_ =	swait.ge [sflag:s14], $0x400  }
0x4e: {  	[sflag:s14] =	ssyncset.done $0x0  }
0x4f: {  	s16 =	simm.s32 $0x0;
	[sflag:s14] =	ssyncadd.s32 $0xFFFFFC00  }
0x50: {  	[tilespmem:s16], [sflag:$0x1] =	stream.strided.gather [hbm4b:s7+s12], $0x400, s13, s12, $0x38;
	[tilespmem:$0x800] =	vst v63  }
0x51: {  	_ =	swait.ge [sflag:s14], $0x400  }
0x52: {  	[sflag:s14] =	ssyncset.done $0x0  }
0x53: {  	v6 =	vimm.f32 $1.000000000e+00;
	v5 =	vimm.f32 $0.0e+00;
	[sflag:s14] =	ssyncadd.s32 $0xFFFFFC00  }
.LBB2_10:
0x54: {  	v7 =	vadd.f32 v6, v5;
	s18 =	simm.s32 $0x0  }
0x55: {  	v9 =	vld [tilespmem:s18+$0x0]  }
0x56: {  	s17 =	simm.s32 $0x40;
	v8 =	vimm.f32 $0.0e+00;
	v7 =	vmul.f32 $5.000000000e-01, v7  }
.LBB2_11:
0x57: {  	p0 =	sne.s32 s17, $0xFC0  }
.Ltmp4:
0x58: {  	_ = 	snop;
	(pc) =	sbr.rel @p0 .LBB2_11-.Ltmp4, $4  }
0x59: {  	_ = 	snop  }
0x5a: {  	s18 =	sshra.s32 s17, $0x2;
	s17 =	sadd.s32 $0x40, s17;
	vm0 =	vge.f32 v9, v7  }
0x5b: {  	v9 =	vld [tilespmem:s18+$0x0];
	v10 =	vsel vm0, $0x3F800000, v3  }
0x5c: {  	v8 =	vadd.f32 v10, v8  }
0x5d: {  	_ =	sdelay $0x2  }
0x5e: {  	vm0 =	vge.f32 v9, v7  }
0x5f: {  	v9 =	vsel vm0, $0x3F800000, v3  }
0x60: {  	v8 =	vadd.f32 v9, v8;
	_ =	sdelay $0x1  }
0x61: {  	v9 =	vperm.xlane v8, v0;
	_ =	sdelay $0x1  }
0x62: {  	v8 =	vadd.f32 v9, v8;
	_ =	sdelay $0x1  }
0x63: {  	v9 =	vperm.xlane v8, v1;
	_ =	sdelay $0x1  }
0x64: {  	v8 =	vadd.f32 v9, v8;
	_ =	sdelay $0x1  }
0x65: {  	v9 =	vperm.xlane v8, v2;
	_ =	sdelay $0x1  }
0x66: {  	v8 =	vadd.f32 v9, v8  }
0x67: {  	s16 =	sadd.s32 $0x1, s16  }
0x68: {  	p0 =	sne.s32 s16, $0x28;
	v9 =	vperm.xlane v8, v4  }
.Ltmp5:
0x69: {  	_ = 	snop;
	(pc) =	sbr.rel @p0 .LBB2_10-.Ltmp5, $3  }
0x6a: {  	v8 =	vadd.f32 v9, v8;
	_ =	sdelay $0x1  }
0x6b: {  	vm15 =	vge.f32 v8, $1.540000000e+02  }
0x6c: {  	v5 =	vsel vm15, v7, v5;
	v6 =	vsel vm15, v6, v7  }
0x6d: {  	s16 =	simm.s32 $0x0  }
0x6e: {  	v6 =	vld [tilespmem:s16+$0x0]  }
0x6f: {  	s17 =	simm.s32 $0x40  }
.LBB2_14:
0x70: {  	p0 =	sne.s32 s17, $0xFC0  }
.Ltmp6:
0x71: {  	_ = 	snop;
	(pc) =	sbr.rel @p0 .LBB2_14-.Ltmp6, $4  }
0x72: {  	_ = 	snop  }
0x73: {  	s18 =	sshra.s32 s17, $0x2;
	s17 =	sadd.s32 $0x40, s17;
	vm0 =	vge.f32 v6, v5  }
0x74: {  	v6 =	vld [tilespmem:s18+$0x0];
	v7 =	vsel vm0, $0x3F800000, v3  }
0x75: {  	[tilespmem:s16+$0x400] =	vst v7;
	s16 =	smov.u32 s18  }
0x76: {  	_ =	sdelay $0x2  }
0x77: {  	vm0 =	vge.f32 v6, v5  }
0x78: {  	v5 =	vsel vm0, $0x3F800000, v3  }
0x79: {  	[tilespmem:s16+$0x400] =	vst v5  }
0x7a: {  	[hbm4b:s8+s12] =	stream.strided.scatter [tilespmem:s13], [sflag:$0x1], $0x400, s13, s12, $0x38;
	[tilespmem:$0x800] =	vst v63  }
0x7b: {  	_ =	swait.ge [sflag:s14], $0x400  }
0x7c: {  	[sflag:s14] =	ssyncset.done $0x0  }
0x7d: {  	s31 =	simm.s32 $0x0;
	[sflag:s14] =	ssyncadd.s32 $0xFFFFFC00  }
0x7e: {  	[tilespmem:s31], [sflag:$0x1] =	stream.strided.gather [hbm4b:s9+s12], $0x400, s13, s12, $0x38;
	[tilespmem:$0x800] =	vst v63  }
0x7f: {  	_ =	swait.ge [sflag:s14], $0x400  }
0x80: {  	[sflag:s14] =	ssyncset.done $0x0  }
0x81: {  	s16 =	simm.s32 $0x0;
	[sflag:s14] =	ssyncadd.s32 $0xFFFFFC00  }
0x82: {  	v5 =	vld [tilespmem:s16+$0x0]  }
0x83: {  	s17 =	simm.s32 $0x40  }
.LBB2_16:
0x84: {  	p0 =	sne.s32 s17, $0xFC0  }
.Ltmp7:
0x85: {  	_ = 	snop;
	(pc) =	sbr.rel @p0 .LBB2_16-.Ltmp7, $4  }
0x86: {  	_ = 	snop  }
0x87: {  	s18 =	sshra.s32 s17, $0x2;
	s17 =	sadd.s32 $0x40, s17;
	vm0 =	vlt.f32 v5, $5.000000000e-01  }
0x88: {  	v5 =	vld [tilespmem:s18+$0x0];
	v6 =	vsel vm0, $0x3F800000, v3  }
0x89: {  	[tilespmem:s16+$0x400] =	vst v6;
	s16 =	smov.u32 s18  }
0x8a: {  	_ =	sdelay $0x2  }
0x8b: {  	s15 =	sadd.s32 $0x1, s15;
	vm0 =	vlt.f32 v5, $5.000000000e-01  }
0x8c: {  	p0 =	sne.s32 s15, s11;
	v5 =	vsel vm0, $0x3F800000, v3  }
.Ltmp8:
0x8d: {  	[tilespmem:s16+$0x400] =	vst v5;
	(pc) =	sbr.rel @p0 .LBB2_1-.Ltmp8, $4  }
0x8e: {  	[hbm4b:s10+s12] =	stream.strided.scatter [tilespmem:s13], [sflag:$0x1], $0x400, s13, s12, $0x38;
	[tilespmem:$0x800] =	vst v63  }
0x8f: {  	_ =	swait.ge [sflag:s14], $0x400  }
0x90: {  	[sflag:s14] =	ssyncset.done $0x0  }
0x91: {  	[sflag:s14] =	ssyncadd.s32 $0xFFFFFC00  }
0x92: {  	_ =	sfence.sel $0x180000  }
0x93: {  	[bflag:$0x0] =	sbarrier.arrive $0xFFFF  }
0x94: {  	p0 =	sne.s32 s2, $0x0;
	_ =	strace $0x90000047  }
0x95: {  	s0 =	sadd.s32 @!p0 $0x100000, s0;
	[bflag:$0x2] =	sbarrier.arrive $0xFFFF  }
0x96: {  	[sflag:s0] =	ssyncadd.tile.s32 @!p0 $0x1;
	_ =	shalt  }
.Lfunc_end2:
_tile_overlayer_lowered:
.L_overlay_start_2:
0x97: {  	(tag) =	ssettag $0x2  }
0x98: {  	s0 =	rddreg [dreg:$0x0];
	s2 =	stileid.u32  }
0x99: {  	s1 =	rddreg [dreg:$0x1];
	p0 =	sne.s32 s2, $0x0  }
0x9a: {  	s3 =	rddreg [dreg:$0x2];
	[bflag:$0x3] =	sbarrier.arrive $0xFFFF;
	s2 =	simm.s32 @!p0 $0x1C01  }
0x9b: {  	[timem:s3], [sflag:s2] =	dma.local @!p0 [hbm:s0], s1  }
0x9c: {  	s0 =	simm.s32 @!p0 $0x1  }
0x9d: {  	_ =	swait.ge @!p0 [sflag:s0], s1  }
0x9e: {  	s1 =	ssub.s32 @!p0 $0x0, s1;
	[sflag:s0] =	ssyncset.done @!p0 $0x0  }
0x9f: {  	[sflag:s0] =	ssyncadd.s32 @!p0 s1  }
0xa0: {  	[bflag:$0x3] =	sbarrier.arrive $0xFFFF  }
0xa1: {  	_ =	shalt  }

</sc_bundles>
